<compile_context>
chip_gen: v7x
topology: tpu7x:2x2x1
jax: 0.10.2.dev20260603
libtpu: 0.0.44.dev20260713+nightly
codegen_flags: <defaults>
</compile_context>

<pallas_src>
import functools

import jax
import jax.numpy as jnp
from jax import lax
from jax.experimental import pallas as pl
from jax.experimental.pallas import tpu as pltpu
from jax.experimental.pallas import tpu_sc as plsc

N_EDGES = 320000
N_WORKERS = 32
CHUNK = 80
D = 128
L = 16


def _sc_body(src_hbm, dst_hbm, hu_hbm, hi_hbm, out_hbm,
             src_v, dst_v, u_v, v_v, part_v, out_v, sem_u, sem_v):
    per_w = N_EDGES // N_WORKERS
    n_chunks = per_w // CHUNK
    wid = lax.axis_index("s") * 2 + lax.axis_index("c")
    base = wid * per_w

    def chunk_body(i, carry):
        off = base + i * CHUNK
        pltpu.sync_copy(src_hbm.at[pl.ds(off, CHUNK)], src_v)
        pltpu.sync_copy(dst_hbm.at[pl.ds(off, CHUNK)], dst_v)
        cu = pltpu.async_copy(hu_hbm.at[src_v], u_v, sem_u)
        cv = pltpu.async_copy(hi_hbm.at[dst_v], v_v, sem_v)
        cu.wait()
        cv.wait()

        def edge_body(c, carry2):
            acc = u_v[c, pl.ds(0, L)] * v_v[c, pl.ds(0, L)]
            for k in range(1, D // L):
                acc = acc + u_v[c, pl.ds(k * L, L)] * v_v[c, pl.ds(k * L, L)]
            part_v[pl.ds(c * L, L)] = acc
            return carry2

        lax.fori_loop(0, CHUNK, edge_body, 0)

        def group_body(g, carry2):
            rowbase = (g * L + lax.iota(jnp.int32, L)) * L
            s = plsc.load_gather(part_v, [rowbase])
            for j in range(1, L):
                s = s + plsc.load_gather(part_v, [rowbase + j])
            out_v[pl.ds(g * L, L)] = s
            return carry2

        lax.fori_loop(0, CHUNK // L, group_body, 0)
        pltpu.sync_copy(out_v, out_hbm.at[pl.ds(off, CHUNK)])
        return carry

    lax.fori_loop(0, n_chunks, chunk_body, 0)


@jax.jit
def _run(src, dst, h_user, h_item):
    mesh = plsc.VectorSubcoreMesh(core_axis_name="c", subcore_axis_name="s")
    f = functools.partial(
        pl.kernel,
        out_type=jax.ShapeDtypeStruct((N_EDGES,), jnp.float32),
        mesh=mesh,
        scratch_types=[
            pltpu.VMEM((CHUNK,), jnp.int32),
            pltpu.VMEM((CHUNK,), jnp.int32),
            pltpu.VMEM((CHUNK, D), jnp.float32),
            pltpu.VMEM((CHUNK, D), jnp.float32),
            pltpu.VMEM((CHUNK * L,), jnp.float32),
            pltpu.VMEM((CHUNK,), jnp.float32),
            pltpu.SemaphoreType.DMA,
            pltpu.SemaphoreType.DMA,
        ],
        compiler_params=pltpu.CompilerParams(needs_layout_passes=False),
    )(_sc_body)
    return f(src, dst, h_user, h_item)


def kernel(edge_index, h_user, h_item):
    ei = edge_index.astype(jnp.int32)
    return _run(ei[0], ei[1], h_user, h_item)

# --- scband reference (transcript-rebuilt; emitter-appended) ---
"""Pipeline reference for scband-hetero-dot-product-predictor-50483045597791 (READ-ONLY COPY).

The authoritative reference and input builder live on the scoring server;
editing this copy changes nothing except your own understanding.
"""

import jax, jax.numpy as jnp
import numpy as np

N_NODES = 10000
N_EDGES = 320000
D_FEAT = 128


def setup_inputs(seed: int = 0) -> dict:
    key = jax.random.key(seed)
    k1, k2, k3 = jax.random.split(key, 3)
    edge_index = jax.random.randint(k1, (2, N_EDGES), 0, N_NODES, dtype=jnp.int64)
    h_user = jax.random.normal(k2, (N_NODES, D_FEAT), dtype=jnp.float32)
    h_item = jax.random.normal(k3, (N_NODES, D_FEAT), dtype=jnp.float32)
    return {"edge_index": edge_index, "h_user": h_user, "h_item": h_item}


def reference(edge_index, h_user, h_item):
    # HeteroDotProductPredictor.forward with rel_type='rates' ->
    # (src_type='user', dst_type='item')
    src_feat = jnp.take(h_user, edge_index[0], axis=0)   # gather [E, d]
    dst_feat = jnp.take(h_item, edge_index[1], axis=0)   # gather [E, d]
    return (src_feat * dst_feat).sum(axis=1)             # [E]

if __name__ == "__main__":
    import jax
    _d = setup_inputs()
    print(jax.jit(kernel)(*tuple(_d.values())))

</pallas_src>

<mosaic_0001>
#map = affine_map<(d0, d1) -> (0)>
#map1 = affine_map<(d0, d1) -> (0, 0)>
module attributes {stable_mosaic.version = 14 : i64} {
  func.func @_sc_body(%arg0: i32, %arg1: i32, %arg2: memref<320000xi32, #tpu.memory_space<hbm>>, %arg3: memref<320000xi32, #tpu.memory_space<hbm>>, %arg4: memref<10000x128xf32, #tpu.memory_space<hbm>>, %arg5: memref<10000x128xf32, #tpu.memory_space<hbm>>, %arg6: memref<320000xf32, #tpu.memory_space<hbm>>, %arg7: memref<80xi32, #tpu.memory_space<vmem>>, %arg8: memref<80xi32, #tpu.memory_space<vmem>>, %arg9: memref<80x128xf32, #tpu.memory_space<vmem>>, %arg10: memref<80x128xf32, #tpu.memory_space<vmem>>, %arg11: memref<1280xf32, #tpu.memory_space<vmem>>, %arg12: memref<80xf32, #tpu.memory_space<vmem>>, %arg13: memref<!tpu.dma_semaphore, #tpu.memory_space<semaphore_mem>>, %arg14: memref<!tpu.dma_semaphore, #tpu.memory_space<semaphore_mem>>) attributes {dimension_semantics = [#tpu.dimension_semantics<core_parallel>, #tpu.dimension_semantics<subcore_parallel>], iteration_bounds = array<i64: 2, 16>, scalar_prefetch = 0 : i64, scratch_operands = 8 : i64, tpu.core_type = #tpu.core_type<sc_vector_subcore>, window_params = [{transform_indices = #map}, {transform_indices = #map}, {transform_indices = #map1}, {transform_indices = #map1}, {transform_indices = #map}]} {
    %mul3A = arith.constant 2 : i32
    %mul3A_0 = arith.muli %arg1, %mul3A : i32
    %add3A = arith.addi %mul3A_0, %arg0 : i32
    %mul3A_1 = arith.constant 10000 : i32
    %mul3A_2 = arith.muli %add3A, %mul3A_1 : i32
    %scan3A = arith.constant 0 : i32
    %scan3A_3 = arith.constant 0 : i32
    %scan3A_4 = arith.constant 125 : i32
    %scan3A_5 = arith.addi %scan3A_3, %scan3A_4 : i32
    %scan3A_6 = arith.constant 1 : i32
    scf.for %scan3A_8 = %scan3A_3 to %scan3A_5 step %scan3A_6  : i32 {
      %mul3A_9 = arith.constant 80 : i32
      %mul3A_10 = arith.muli %scan3A_8, %mul3A_9 : i32
      %add3A_11 = arith.addi %mul3A_2, %mul3A_10 : i32
      "tpu.region"() ({
        %run_scoped3A = tpu.sem_alloc : memref<!tpu.dma_semaphore, #tpu.memory_space<semaphore_mem>>
        %dma_start3A_34 = tpu.memref_slice %arg2[%add3A_11] : memref<320000xi32, #tpu.memory_space<hbm>> -> memref<80xi32, #tpu.memory_space<hbm>>
        %dma_start3A_35 = tpu.memref_slice %arg2[%add3A_11] : memref<320000xi32, #tpu.memory_space<hbm>> -> memref<80xi32, #tpu.memory_space<hbm>>
        tpu.enqueue_dma source(%dma_start3A_35 : memref<80xi32, #tpu.memory_space<hbm>>) target(%arg7 : memref<80xi32, #tpu.memory_space<vmem>>) target_semaphore(%run_scoped3A : memref<!tpu.dma_semaphore, #tpu.memory_space<semaphore_mem>>)
        %dma_wait3A_36 = tpu.memref_slice %arg2[%add3A_11] : memref<320000xi32, #tpu.memory_space<hbm>> -> memref<80xi32, #tpu.memory_space<hbm>>
        %dma_wait3A_37 = tpu.memref_slice %arg2[%add3A_11] : memref<320000xi32, #tpu.memory_space<hbm>> -> memref<80xi32, #tpu.memory_space<hbm>>
        tpu.wait_dma2 semaphore(%run_scoped3A : memref<!tpu.dma_semaphore, #tpu.memory_space<semaphore_mem>>) src(%dma_wait3A_37 : memref<80xi32, #tpu.memory_space<hbm>>) dst(%arg7 : memref<80xi32, #tpu.memory_space<vmem>>)
        tpu.yield
      }) : () -> ()
      "tpu.region"() ({
        %run_scoped3A = tpu.sem_alloc : memref<!tpu.dma_semaphore, #tpu.memory_space<semaphore_mem>>
        %dma_start3A_34 = tpu.memref_slice %arg3[%add3A_11] : memref<320000xi32, #tpu.memory_space<hbm>> -> memref<80xi32, #tpu.memory_space<hbm>>
        %dma_start3A_35 = tpu.memref_slice %arg3[%add3A_11] : memref<320000xi32, #tpu.memory_space<hbm>> -> memref<80xi32, #tpu.memory_space<hbm>>
        tpu.enqueue_dma source(%dma_start3A_35 : memref<80xi32, #tpu.memory_space<hbm>>) target(%arg8 : memref<80xi32, #tpu.memory_space<vmem>>) target_semaphore(%run_scoped3A : memref<!tpu.dma_semaphore, #tpu.memory_space<semaphore_mem>>)
        %dma_wait3A_36 = tpu.memref_slice %arg3[%add3A_11] : memref<320000xi32, #tpu.memory_space<hbm>> -> memref<80xi32, #tpu.memory_space<hbm>>
        %dma_wait3A_37 = tpu.memref_slice %arg3[%add3A_11] : memref<320000xi32, #tpu.memory_space<hbm>> -> memref<80xi32, #tpu.memory_space<hbm>>
        tpu.wait_dma2 semaphore(%run_scoped3A : memref<!tpu.dma_semaphore, #tpu.memory_space<semaphore_mem>>) src(%dma_wait3A_37 : memref<80xi32, #tpu.memory_space<hbm>>) dst(%arg8 : memref<80xi32, #tpu.memory_space<vmem>>)
        tpu.yield
      }) : () -> ()
      %dma_start3A = arith.constant 0 : i32
      %dma_start3A_12 = arith.constant 0 : i32
      %dma_start3A_13 = tpu.memref_slice %arg4[%dma_start3A, %dma_start3A_12] : memref<10000x128xf32, #tpu.memory_space<hbm>> -> memref<10000x128xf32, #tpu.memory_space<hbm>>
      tpu.enqueue_indirect_dma source(%dma_start3A_13 : memref<10000x128xf32, #tpu.memory_space<hbm>>) target(%arg9 : memref<80x128xf32, #tpu.memory_space<vmem>>) offsets(%arg7 : memref<80xi32, #tpu.memory_space<vmem>>) semaphore(%arg13 : memref<!tpu.dma_semaphore, #tpu.memory_space<semaphore_mem>>)
      %dma_start3A_14 = arith.constant 0 : i32
      %dma_start3A_15 = arith.constant 0 : i32
      %dma_start3A_16 = tpu.memref_slice %arg5[%dma_start3A_14, %dma_start3A_15] : memref<10000x128xf32, #tpu.memory_space<hbm>> -> memref<10000x128xf32, #tpu.memory_space<hbm>>
      tpu.enqueue_indirect_dma source(%dma_start3A_16 : memref<10000x128xf32, #tpu.memory_space<hbm>>) target(%arg10 : memref<80x128xf32, #tpu.memory_space<vmem>>) offsets(%arg8 : memref<80xi32, #tpu.memory_space<vmem>>) semaphore(%arg14 : memref<!tpu.dma_semaphore, #tpu.memory_space<semaphore_mem>>)
      %dma_wait3A = arith.constant 0 : i32
      %dma_wait3A_17 = arith.constant 0 : i32
      %dma_wait3A_18 = tpu.memref_slice %arg4[%dma_wait3A, %dma_wait3A_17] : memref<10000x128xf32, #tpu.memory_space<hbm>> -> memref<10000x128xf32, #tpu.memory_space<hbm>>
      tpu.wait_indirect_dma semaphore(%arg13 : memref<!tpu.dma_semaphore, #tpu.memory_space<semaphore_mem>>) src(%dma_wait3A_18 : memref<10000x128xf32, #tpu.memory_space<hbm>>) dst(%arg9 : memref<80x128xf32, #tpu.memory_space<vmem>>)
      %dma_wait3A_19 = arith.constant 0 : i32
      %dma_wait3A_20 = arith.constant 0 : i32
      %dma_wait3A_21 = tpu.memref_slice %arg5[%dma_wait3A_19, %dma_wait3A_20] : memref<10000x128xf32, #tpu.memory_space<hbm>> -> memref<10000x128xf32, #tpu.memory_space<hbm>>
      tpu.wait_indirect_dma semaphore(%arg14 : memref<!tpu.dma_semaphore, #tpu.memory_space<semaphore_mem>>) src(%dma_wait3A_21 : memref<10000x128xf32, #tpu.memory_space<hbm>>) dst(%arg10 : memref<80x128xf32, #tpu.memory_space<vmem>>)
      %scan3A_22 = arith.constant 0 : i32
      %scan3A_23 = arith.constant 0 : i32
      %scan3A_24 = arith.constant 80 : i32
      %scan3A_25 = arith.addi %scan3A_23, %scan3A_24 : i32
      %scan3A_26 = arith.constant 1 : i32
      scf.for %scan3A_34 = %scan3A_23 to %scan3A_25 step %scan3A_26  : i32 {
        %get3A = arith.index_cast %scan3A_34 : i32 to index
        %get3A_35 = arith.constant 0 : index
        %get3A_36 = tpu.vector_load %arg9[%get3A, %get3A_35] {strides = array<i32>} : memref<80x128xf32, #tpu.memory_space<vmem>>, vector<16xf32>,
        %get3A_37 = arith.index_cast %scan3A_34 : i32 to index
        %get3A_38 = arith.constant 0 : index
        %get3A_39 = tpu.vector_load %arg10[%get3A_37, %get3A_38] {strides = array<i32>} : memref<80x128xf32, #tpu.memory_space<vmem>>, vector<16xf32>,
        %mul3A_40 = arith.mulf %get3A_36, %get3A_39 : vector<16xf32>
        %get3A_41 = arith.index_cast %scan3A_34 : i32 to index
        %get3A_42 = arith.constant 16 : index
        %get3A_43 = tpu.vector_load %arg9[%get3A_41, %get3A_42] {strides = array<i32>} : memref<80x128xf32, #tpu.memory_space<vmem>>, vector<16xf32>,
        %get3A_44 = arith.index_cast %scan3A_34 : i32 to index
        %get3A_45 = arith.constant 16 : index
        %get3A_46 = tpu.vector_load %arg10[%get3A_44, %get3A_45] {strides = array<i32>} : memref<80x128xf32, #tpu.memory_space<vmem>>, vector<16xf32>,
        %mul3A_47 = arith.mulf %get3A_43, %get3A_46 : vector<16xf32>
        %add3A_48 = arith.addf %mul3A_40, %mul3A_47 : vector<16xf32>
        %get3A_49 = arith.index_cast %scan3A_34 : i32 to index
        %get3A_50 = arith.constant 32 : index
        %get3A_51 = tpu.vector_load %arg9[%get3A_49, %get3A_50] {strides = array<i32>} : memref<80x128xf32, #tpu.memory_space<vmem>>, vector<16xf32>,
        %get3A_52 = arith.index_cast %scan3A_34 : i32 to index
        %get3A_53 = arith.constant 32 : index
        %get3A_54 = tpu.vector_load %arg10[%get3A_52, %get3A_53] {strides = array<i32>} : memref<80x128xf32, #tpu.memory_space<vmem>>, vector<16xf32>,
        %mul3A_55 = arith.mulf %get3A_51, %get3A_54 : vector<16xf32>
        %add3A_56 = arith.addf %add3A_48, %mul3A_55 : vector<16xf32>
        %get3A_57 = arith.index_cast %scan3A_34 : i32 to index
        %get3A_58 = arith.constant 48 : index
        %get3A_59 = tpu.vector_load %arg9[%get3A_57, %get3A_58] {strides = array<i32>} : memref<80x128xf32, #tpu.memory_space<vmem>>, vector<16xf32>,
        %get3A_60 = arith.index_cast %scan3A_34 : i32 to index
        %get3A_61 = arith.constant 48 : index
        %get3A_62 = tpu.vector_load %arg10[%get3A_60, %get3A_61] {strides = array<i32>} : memref<80x128xf32, #tpu.memory_space<vmem>>, vector<16xf32>,
        %mul3A_63 = arith.mulf %get3A_59, %get3A_62 : vector<16xf32>
        %add3A_64 = arith.addf %add3A_56, %mul3A_63 : vector<16xf32>
        %get3A_65 = arith.index_cast %scan3A_34 : i32 to index
        %get3A_66 = arith.constant 64 : index
        %get3A_67 = tpu.vector_load %arg9[%get3A_65, %get3A_66] {strides = array<i32>} : memref<80x128xf32, #tpu.memory_space<vmem>>, vector<16xf32>,
        %get3A_68 = arith.index_cast %scan3A_34 : i32 to index
        %get3A_69 = arith.constant 64 : index
        %get3A_70 = tpu.vector_load %arg10[%get3A_68, %get3A_69] {strides = array<i32>} : memref<80x128xf32, #tpu.memory_space<vmem>>, vector<16xf32>,
        %mul3A_71 = arith.mulf %get3A_67, %get3A_70 : vector<16xf32>
        %add3A_72 = arith.addf %add3A_64, %mul3A_71 : vector<16xf32>
        %get3A_73 = arith.index_cast %scan3A_34 : i32 to index
        %get3A_74 = arith.constant 80 : index
        %get3A_75 = tpu.vector_load %arg9[%get3A_73, %get3A_74] {strides = array<i32>} : memref<80x128xf32, #tpu.memory_space<vmem>>, vector<16xf32>,
        %get3A_76 = arith.index_cast %scan3A_34 : i32 to index
        %get3A_77 = arith.constant 80 : index
        %get3A_78 = tpu.vector_load %arg10[%get3A_76, %get3A_77] {strides = array<i32>} : memref<80x128xf32, #tpu.memory_space<vmem>>, vector<16xf32>,
        %mul3A_79 = arith.mulf %get3A_75, %get3A_78 : vector<16xf32>
        %add3A_80 = arith.addf %add3A_72, %mul3A_79 : vector<16xf32>
        %get3A_81 = arith.index_cast %scan3A_34 : i32 to index
        %get3A_82 = arith.constant 96 : index
        %get3A_83 = tpu.vector_load %arg9[%get3A_81, %get3A_82] {strides = array<i32>} : memref<80x128xf32, #tpu.memory_space<vmem>>, vector<16xf32>,
        %get3A_84 = arith.index_cast %scan3A_34 : i32 to index
        %get3A_85 = arith.constant 96 : index
        %get3A_86 = tpu.vector_load %arg10[%get3A_84, %get3A_85] {strides = array<i32>} : memref<80x128xf32, #tpu.memory_space<vmem>>, vector<16xf32>,
        %mul3A_87 = arith.mulf %get3A_83, %get3A_86 : vector<16xf32>
        %add3A_88 = arith.addf %add3A_80, %mul3A_87 : vector<16xf32>
        %get3A_89 = arith.index_cast %scan3A_34 : i32 to index
        %get3A_90 = arith.constant 112 : index
        %get3A_91 = tpu.vector_load %arg9[%get3A_89, %get3A_90] {strides = array<i32>} : memref<80x128xf32, #tpu.memory_space<vmem>>, vector<16xf32>,
        %get3A_92 = arith.index_cast %scan3A_34 : i32 to index
        %get3A_93 = arith.constant 112 : index
        %get3A_94 = tpu.vector_load %arg10[%get3A_92, %get3A_93] {strides = array<i32>} : memref<80x128xf32, #tpu.memory_space<vmem>>, vector<16xf32>,
        %mul3A_95 = arith.mulf %get3A_91, %get3A_94 : vector<16xf32>
        %add3A_96 = arith.addf %add3A_88, %mul3A_95 : vector<16xf32>
        %mul3A_97 = arith.constant 16 : i32
        %mul3A_98 = arith.muli %scan3A_34, %mul3A_97 : i32
        %swap3A = arith.index_cast %mul3A_98 : i32 to index
        %swap3A_99 = tpu.vector_load %arg11[%swap3A] {strides = array<i32>} : memref<1280xf32, #tpu.memory_space<vmem>>, vector<16xf32>,
        tpu.vector_store %arg11[%swap3A], %add3A_96 {strides = array<i32>} : memref<1280xf32, #tpu.memory_space<vmem>>, vector<16xf32>,
      }
      %scan3A_27 = arith.constant 80 : i32
      %scan3A_28 = arith.constant 0 : i32
      %scan3A_29 = arith.constant 0 : i32
      %scan3A_30 = arith.constant 5 : i32
      %scan3A_31 = arith.addi %scan3A_29, %scan3A_30 : i32
      %scan3A_32 = arith.constant 1 : i32
      scf.for %scan3A_34 = %scan3A_29 to %scan3A_31 step %scan3A_32  : i32 {
        %mul3A_35 = arith.constant 16 : i32
        %mul3A_36 = arith.muli %scan3A_34, %mul3A_35 : i32
        %iota3A = tpu.iota {dimensions = array<i32: 0>} : vector<16xi32>
        %add3A_37 = vector.broadcast %mul3A_36 : i32 to vector<16xi32>
        %add3A_38 = arith.addi %add3A_37, %iota3A : vector<16xi32>
        %mul3A_39 = arith.constant 16 : i32
        %mul3A_40 = vector.broadcast %mul3A_39 : i32 to vector<16xi32>
        %mul3A_41 = arith.muli %add3A_38, %mul3A_40 : vector<16xi32>
        %gather3A = tpu.vector_load_idx %arg11[%mul3A_41] : memref<1280xf32, #tpu.memory_space<vmem>>[vector<16xi32>], vector<16xf32>,
        %add3A_42 = arith.constant 1 : i32
        %add3A_43 = vector.broadcast %add3A_42 : i32 to vector<16xi32>
        %add3A_44 = arith.addi %mul3A_41, %add3A_43 : vector<16xi32>
        %gather3A_45 = tpu.vector_load_idx %arg11[%add3A_44] : memref<1280xf32, #tpu.memory_space<vmem>>[vector<16xi32>], vector<16xf32>,
        %add3A_46 = arith.addf %gather3A, %gather3A_45 : vector<16xf32>
        %add3A_47 = arith.constant 2 : i32
        %add3A_48 = vector.broadcast %add3A_47 : i32 to vector<16xi32>
        %add3A_49 = arith.addi %mul3A_41, %add3A_48 : vector<16xi32>
        %gather3A_50 = tpu.vector_load_idx %arg11[%add3A_49] : memref<1280xf32, #tpu.memory_space<vmem>>[vector<16xi32>], vector<16xf32>,
        %add3A_51 = arith.addf %add3A_46, %gather3A_50 : vector<16xf32>
        %add3A_52 = arith.constant 3 : i32
        %add3A_53 = vector.broadcast %add3A_52 : i32 to vector<16xi32>
        %add3A_54 = arith.addi %mul3A_41, %add3A_53 : vector<16xi32>
        %gather3A_55 = tpu.vector_load_idx %arg11[%add3A_54] : memref<1280xf32, #tpu.memory_space<vmem>>[vector<16xi32>], vector<16xf32>,
        %add3A_56 = arith.addf %add3A_51, %gather3A_55 : vector<16xf32>
        %add3A_57 = arith.constant 4 : i32
        %add3A_58 = vector.broadcast %add3A_57 : i32 to vector<16xi32>
        %add3A_59 = arith.addi %mul3A_41, %add3A_58 : vector<16xi32>
        %gather3A_60 = tpu.vector_load_idx %arg11[%add3A_59] : memref<1280xf32, #tpu.memory_space<vmem>>[vector<16xi32>], vector<16xf32>,
        %add3A_61 = arith.addf %add3A_56, %gather3A_60 : vector<16xf32>
        %add3A_62 = arith.constant 5 : i32
        %add3A_63 = vector.broadcast %add3A_62 : i32 to vector<16xi32>
        %add3A_64 = arith.addi %mul3A_41, %add3A_63 : vector<16xi32>
        %gather3A_65 = tpu.vector_load_idx %arg11[%add3A_64] : memref<1280xf32, #tpu.memory_space<vmem>>[vector<16xi32>], vector<16xf32>,
        %add3A_66 = arith.addf %add3A_61, %gather3A_65 : vector<16xf32>
        %add3A_67 = arith.constant 6 : i32
        %add3A_68 = vector.broadcast %add3A_67 : i32 to vector<16xi32>
        %add3A_69 = arith.addi %mul3A_41, %add3A_68 : vector<16xi32>
        %gather3A_70 = tpu.vector_load_idx %arg11[%add3A_69] : memref<1280xf32, #tpu.memory_space<vmem>>[vector<16xi32>], vector<16xf32>,
        %add3A_71 = arith.addf %add3A_66, %gather3A_70 : vector<16xf32>
        %add3A_72 = arith.constant 7 : i32
        %add3A_73 = vector.broadcast %add3A_72 : i32 to vector<16xi32>
        %add3A_74 = arith.addi %mul3A_41, %add3A_73 : vector<16xi32>
        %gather3A_75 = tpu.vector_load_idx %arg11[%add3A_74] : memref<1280xf32, #tpu.memory_space<vmem>>[vector<16xi32>], vector<16xf32>,
        %add3A_76 = arith.addf %add3A_71, %gather3A_75 : vector<16xf32>
        %add3A_77 = arith.constant 8 : i32
        %add3A_78 = vector.broadcast %add3A_77 : i32 to vector<16xi32>
        %add3A_79 = arith.addi %mul3A_41, %add3A_78 : vector<16xi32>
        %gather3A_80 = tpu.vector_load_idx %arg11[%add3A_79] : memref<1280xf32, #tpu.memory_space<vmem>>[vector<16xi32>], vector<16xf32>,
        %add3A_81 = arith.addf %add3A_76, %gather3A_80 : vector<16xf32>
        %add3A_82 = arith.constant 9 : i32
        %add3A_83 = vector.broadcast %add3A_82 : i32 to vector<16xi32>
        %add3A_84 = arith.addi %mul3A_41, %add3A_83 : vector<16xi32>
        %gather3A_85 = tpu.vector_load_idx %arg11[%add3A_84] : memref<1280xf32, #tpu.memory_space<vmem>>[vector<16xi32>], vector<16xf32>,
        %add3A_86 = arith.addf %add3A_81, %gather3A_85 : vector<16xf32>
        %add3A_87 = arith.constant 10 : i32
        %add3A_88 = vector.broadcast %add3A_87 : i32 to vector<16xi32>
        %add3A_89 = arith.addi %mul3A_41, %add3A_88 : vector<16xi32>
        %gather3A_90 = tpu.vector_load_idx %arg11[%add3A_89] : memref<1280xf32, #tpu.memory_space<vmem>>[vector<16xi32>], vector<16xf32>,
        %add3A_91 = arith.addf %add3A_86, %gather3A_90 : vector<16xf32>
        %add3A_92 = arith.constant 11 : i32
        %add3A_93 = vector.broadcast %add3A_92 : i32 to vector<16xi32>
        %add3A_94 = arith.addi %mul3A_41, %add3A_93 : vector<16xi32>
        %gather3A_95 = tpu.vector_load_idx %arg11[%add3A_94] : memref<1280xf32, #tpu.memory_space<vmem>>[vector<16xi32>], vector<16xf32>,
        %add3A_96 = arith.addf %add3A_91, %gather3A_95 : vector<16xf32>
        %add3A_97 = arith.constant 12 : i32
        %add3A_98 = vector.broadcast %add3A_97 : i32 to vector<16xi32>
        %add3A_99 = arith.addi %mul3A_41, %add3A_98 : vector<16xi32>
        %gather3A_100 = tpu.vector_load_idx %arg11[%add3A_99] : memref<1280xf32, #tpu.memory_space<vmem>>[vector<16xi32>], vector<16xf32>,
        %add3A_101 = arith.addf %add3A_96, %gather3A_100 : vector<16xf32>
        %add3A_102 = arith.constant 13 : i32
        %add3A_103 = vector.broadcast %add3A_102 : i32 to vector<16xi32>
        %add3A_104 = arith.addi %mul3A_41, %add3A_103 : vector<16xi32>
        %gather3A_105 = tpu.vector_load_idx %arg11[%add3A_104] : memref<1280xf32, #tpu.memory_space<vmem>>[vector<16xi32>], vector<16xf32>,
        %add3A_106 = arith.addf %add3A_101, %gather3A_105 : vector<16xf32>
        %add3A_107 = arith.constant 14 : i32
        %add3A_108 = vector.broadcast %add3A_107 : i32 to vector<16xi32>
        %add3A_109 = arith.addi %mul3A_41, %add3A_108 : vector<16xi32>
        %gather3A_110 = tpu.vector_load_idx %arg11[%add3A_109] : memref<1280xf32, #tpu.memory_space<vmem>>[vector<16xi32>], vector<16xf32>,
        %add3A_111 = arith.addf %add3A_106, %gather3A_110 : vector<16xf32>
        %add3A_112 = arith.constant 15 : i32
        %add3A_113 = vector.broadcast %add3A_112 : i32 to vector<16xi32>
        %add3A_114 = arith.addi %mul3A_41, %add3A_113 : vector<16xi32>
        %gather3A_115 = tpu.vector_load_idx %arg11[%add3A_114] : memref<1280xf32, #tpu.memory_space<vmem>>[vector<16xi32>], vector<16xf32>,
        %add3A_116 = arith.addf %add3A_111, %gather3A_115 : vector<16xf32>
        %mul3A_117 = arith.constant 16 : i32
        %mul3A_118 = arith.muli %scan3A_34, %mul3A_117 : i32
        %swap3A = arith.index_cast %mul3A_118 : i32 to index
        %swap3A_119 = tpu.vector_load %arg12[%swap3A] {strides = array<i32>} : memref<80xf32, #tpu.memory_space<vmem>>, vector<16xf32>,
        tpu.vector_store %arg12[%swap3A], %add3A_116 {strides = array<i32>} : memref<80xf32, #tpu.memory_space<vmem>>, vector<16xf32>,
      }
      %scan3A_33 = arith.constant 5 : i32
      "tpu.region"() ({
        %run_scoped3A = tpu.sem_alloc : memref<!tpu.dma_semaphore, #tpu.memory_space<semaphore_mem>>
        %dma_start3A_34 = tpu.memref_slice %arg6[%add3A_11] : memref<320000xf32, #tpu.memory_space<hbm>> -> memref<80xf32, #tpu.memory_space<hbm>>
        %dma_start3A_35 = tpu.memref_slice %arg6[%add3A_11] : memref<320000xf32, #tpu.memory_space<hbm>> -> memref<80xf32, #tpu.memory_space<hbm>>
        tpu.enqueue_dma source(%arg12 : memref<80xf32, #tpu.memory_space<vmem>>) target(%dma_start3A_35 : memref<80xf32, #tpu.memory_space<hbm>>) target_semaphore(%run_scoped3A : memref<!tpu.dma_semaphore, #tpu.memory_space<semaphore_mem>>)
        %dma_wait3A_36 = tpu.memref_slice %arg6[%add3A_11] : memref<320000xf32, #tpu.memory_space<hbm>> -> memref<80xf32, #tpu.memory_space<hbm>>
        %dma_wait3A_37 = tpu.memref_slice %arg6[%add3A_11] : memref<320000xf32, #tpu.memory_space<hbm>> -> memref<80xf32, #tpu.memory_space<hbm>>
        tpu.wait_dma2 semaphore(%run_scoped3A : memref<!tpu.dma_semaphore, #tpu.memory_space<semaphore_mem>>) src(%arg12 : memref<80xf32, #tpu.memory_space<vmem>>) dst(%dma_wait3A_37 : memref<80xf32, #tpu.memory_space<hbm>>)
        tpu.yield
      }) : () -> ()
    }
    %scan3A_7 = arith.constant 125 : i32
    return
  }
}

</mosaic_0001>

<sc_bundles>
// kernel: _run.3.cloned.1.call-start
scs
__scs_entry_jumppad:
0x0: {  	(pc) =	sbr.rel $0x88, $3  }
0x1: {  	(tag) =	ssettag $0x0;
	lr =	simm.s32 $0x1  }
0x2: {  	[smem:$0x3F9D] =	sst lr;
	_ =	strace $0xD0000000  }
0x3: {  	_ = 	snop  }
0x4: {  	_ = 	snop  }
0x5: {  	_ = 	snop  }
0x6: {  	_ = 	snop  }
0x7: {  	_ = 	snop  }
__scs_overlays_trampoline_lowered:
0x8: {  	[smem:$0x3FAC] =	sst s0  }
0x9: {  	[smem:$0x3FAD] =	sst s1  }
0xa: {  	[smem:$0x3FAE] =	sst s2  }
0xb: {  	[smem:$0x3FAF] =	sst s3  }
0xc: {  	[smem:$0x3FB0] =	sst s4  }
0xd: {  	[smem:$0x3FB1] =	sst s5  }
0xe: {  	[smem:$0x3FB2] =	sst s6  }
0xf: {  	[smem:$0x3FB3] =	sst s7  }
0x10: {  	[smem:$0x3FB4] =	sst s8  }
0x11: {  	[smem:$0x3FB5] =	sst s9;
	s0 =	simm.s32 @!p0 $0x0  }
0x12: {  	s1 =	sld [smem:$0x3F9B];
	s0 =	simm.s32 @p0 $0x1  }
0x13: {  	[smem:$0x3FB6] =	sst s0;
	s0 =	simm.s32 @!p1 $0x0  }
0x14: {  	s2 =	sld [smem:$0x3F9A];
	s0 =	simm.s32 @p1 $0x1  }
0x15: {  	[smem:$0x3FB7] =	sst s0;
	s0 =	simm.s32 @!p2 $0x0  }
0x16: {  	s3 =	sld [smem:$0x3FDB];
	s0 =	simm.s32 @p2 $0x1  }
0x17: {  	s4 =	simm.s32 $0x1BF5;
	[smem:$0x3FB9] =	sst s0  }
0x18: {  	s0 =	sld [smem:$0x3F9C];
	_ =	swait.ge [sflag:s4], $0x0  }
0x19: {  	s7 =	sld [smem:$0x3F9D]  }
0x1a: {  	s8 =	sadd.s32 $0xFFFFE003, lr  }
0x1b: {  	s9 =	sadd.s32 $0xFFFFFEF7, lr;
	s5 =	simm.s32 $0xFFFFFFFF;
	p2 =	slt.u32 s8, $0xFFFFF086  }
0x1c: {  	p1 =	slt.u32 s9, $0xF7A;
	s5 =	simm.s32 @!p2 $0x0  }
0x1d: {  	s5 =	simm.s32 @p1 $0x1;
	p0 =	seq.s32 s7, s2  }
0x1e: {  	s7 =	smul.u32 @!p0 $0xF7A, s2;
	p2 =	seq.s32 @!p0 s5, $0x0  }
0x1f: {  	s9 =	smul.u32 $0xF7A, s1;
	s8 =	simm.s32 @!p0 $0x1BF5;
	p2 =	por !p2, p0  }
0x20: {  	[sflag:s8] =	ssyncset.s32 @!p0 $0xFFFFF086;
	s6 =	sadd.s32 @!p0 s3, s7;
	s7 =	simm.s32 @!p0 $0x108  }
0x21: {  	s3 =	sadd.s32 s3, s9;
	s6 =	sadd.s32 @!p0 $0x88, s6;
	s7 =	simm.s32 @p2 $0x1082  }
0x22: {  	[simem:s7], [sflag:s8] =	dma.local @!p0 [hbm:s6], $0xF7A  }
0x23: {  	s9 =	sor.u32 $0xD0000000, s2;
	s6 =	simm.s32 $0x108;
	_ =	swait.ge @!p0 [sflag:s8], $0x0  }
0x24: {  	s3 =	sadd.s32 $0x88, s3;
	s6 =	simm.s32 @!p1 $0x1082;
	[sflag:s4] =	ssyncset.s32 $0xFFFFF086  }
0x25: {  	[simem:s6], [sflag:s4] =	dma.local [hbm:s3], $0xF7A  }
0x26: {  	[smem:$0x3F9D] =	sst s1;
	(tag) =	ssettag s2;
	_ =	strace s9  }
0x27: {  	s1 =	sld [smem:$0x3FAD]  }
0x28: {  	s2 =	sld [smem:$0x3FAE]  }
0x29: {  	s4 =	sld [smem:$0x3FB0]  }
0x2a: {  	p0 =	seq.s32 s5, $0x0;
	s5 =	sld [smem:$0x3FB1]  }
0x2b: {  	s6 =	sld [smem:$0x3FB2]  }
0x2c: {  	s7 =	sld [smem:$0x3FB3]  }
0x2d: {  	s3 =	simm.s32 $0x108;
	s8 =	sld [smem:$0x3FB4]  }
0x2e: {  	s3 =	simm.s32 @!p0 $0x1082;
	s9 =	sld [smem:$0x3FB5]  }
0x2f: {  	lr =	sadd.s32 s0, s3;
	s0 =	sld [smem:$0x3FAC]  }
0x30: {  	s3 =	sld [smem:$0x3FAF]  }
0x31: {  	[smem:$0x3FB8] =	sst s10  }
0x32: {  	s10 =	sld [smem:$0x3FB6];
	_ =	sdelay $0x3  }
0x33: {  	p0 =	seq.s32 s10, $0x1;
	s10 =	sld [smem:$0x3FB8];
	_ =	sdelay $0x3  }
0x34: {  	[smem:$0x3FB8] =	sst s10  }
0x35: {  	s10 =	sld [smem:$0x3FB7];
	_ =	sdelay $0x3  }
0x36: {  	p1 =	seq.s32 s10, $0x1;
	s10 =	sld [smem:$0x3FB8];
	_ =	sdelay $0x3  }
0x37: {  	[smem:$0x3FB8] =	sst s10  }
0x38: {  	s10 =	sld [smem:$0x3FB9]  }
0x39: {  	_ = 	snop;
	(pc) =	sbr.ind lr, $3  }
0x3a: {  	_ = 	snop  }
0x3b: {  	_ = 	snop  }
0x3c: {  	p2 =	seq.s32 s10, $0x1;
	s10 =	sld [smem:$0x3FB8]  }
0x3d: {  	_ =	shalt  }
0x3e: {  	_ =	shalt  }
0x3f: {  	_ =	shalt  }
0x40: {  	_ =	shalt  }
0x41: {  	_ =	shalt  }
0x42: {  	_ =	shalt  }
0x43: {  	_ =	shalt  }
0x44: {  	_ =	shalt  }
0x45: {  	_ =	shalt  }
0x46: {  	_ =	shalt  }
0x47: {  	_ =	shalt  }
0x48: {  	_ =	shalt  }
0x49: {  	_ =	shalt  }
0x4a: {  	_ =	shalt  }
0x4b: {  	_ =	shalt  }
0x4c: {  	_ =	shalt  }
0x4d: {  	_ =	shalt  }
0x4e: {  	_ =	shalt  }
0x4f: {  	_ =	shalt  }
0x50: {  	_ =	shalt  }
0x51: {  	_ =	shalt  }
0x52: {  	_ =	shalt  }
0x53: {  	_ =	shalt  }
0x54: {  	_ =	shalt  }
0x55: {  	_ =	shalt  }
0x56: {  	_ =	shalt  }
0x57: {  	_ =	shalt  }
0x58: {  	_ =	shalt  }
0x59: {  	_ =	shalt  }
0x5a: {  	_ =	shalt  }
0x5b: {  	_ =	shalt  }
0x5c: {  	_ =	shalt  }
0x5d: {  	_ =	shalt  }
0x5e: {  	_ =	shalt  }
0x5f: {  	_ =	shalt  }
0x60: {  	_ =	shalt  }
0x61: {  	_ =	shalt  }
0x62: {  	_ =	shalt  }
0x63: {  	_ =	shalt  }
0x64: {  	_ =	shalt  }
0x65: {  	_ =	shalt  }
0x66: {  	_ =	shalt  }
0x67: {  	_ =	shalt  }
0x68: {  	_ =	shalt  }
0x69: {  	_ =	shalt  }
0x6a: {  	_ =	shalt  }
0x6b: {  	_ =	shalt  }
0x6c: {  	_ =	shalt  }
0x6d: {  	_ =	shalt  }
0x6e: {  	_ =	shalt  }
0x6f: {  	_ =	shalt  }
0x70: {  	_ =	shalt  }
0x71: {  	_ =	shalt  }
0x72: {  	_ =	shalt  }
0x73: {  	_ =	shalt  }
0x74: {  	_ =	shalt  }
0x75: {  	_ =	shalt  }
0x76: {  	_ =	shalt  }
0x77: {  	_ =	shalt  }
0x78: {  	_ =	shalt  }
0x79: {  	_ =	shalt  }
0x7a: {  	_ =	shalt  }
0x7b: {  	_ =	shalt  }
0x7c: {  	_ =	shalt  }
0x7d: {  	_ =	shalt  }
0x7e: {  	_ =	shalt  }
0x7f: {  	_ =	shalt  }
0x80: {  	_ =	shalt  }
0x81: {  	_ =	shalt  }
0x82: {  	_ =	shalt  }
0x83: {  	_ =	shalt  }
0x84: {  	_ =	shalt  }
0x85: {  	_ =	shalt  }
0x86: {  	_ =	shalt  }
0x87: {  	_ =	shalt  }
.Lfunc_end0:
.L_simem_size_0:
called_computation_lowered:
.L_overlay_start_0:
0x88: {  	s2 =	sld [smem:$0x3FD9]  }
0x89: {  	s3 =	sld [smem:$0x3FFE];
	_ =	sdelay $0x1  }
0x8a: {  	s1 =	srdreg.scid  }
0x8b: {  	s0 =	sand.u32 $0x1, s1  }
0x8c: {  	s18 =	sshll.u32 s0, $0xA;
	s2 =	sadd.s32 s3, s2  }
0x8d: {  	s2 =	sadd.s32 s2, s18  }
0x8e: {  	[smem:$0x3FC4] =	sst s2  }
0x8f: {  	_ = 	snop  }
0x90: {  	s2 =	sld [smem:$0x3FC9]  }
0x91: {  	s19 =	sld [smem:$0x3FC8]  }
0x92: {  	s4 =	sld [smem:$0x3FC7]  }
0x93: {  	s5 =	sld [smem:$0x3FC6]  }
0x94: {  	s6 =	sld [smem:$0x3FD0];
	(tm) =	ssettm $0x1  }
0x95: {  	s7 =	sld [smem:$0x3FFB];
	_ =	sdelay $0x3  }
0x96: {  	_ =	strace s7  }
0x97: {  	s7 =	sld [smem:$0x3FFC];
	_ =	sdelay $0x3  }
0x98: {  	_ =	strace s7  }
0x99: {  	s7 =	sld [smem:$0x3FFD];
	_ =	sdelay $0x3  }
0x9a: {  	_ =	strace s7  }
0x9b: {  	_ =	strace $0x8FFFFFFF  }
0x9c: {  	s20 =	sld [smem:$0x3FDB];
	_ =	sdelay $0x1  }
0x9d: {  	s8 =	simm.s32 $_scs_section_size  }
0x9e: {  	s9 =	simm.s32 $_size__tile_overlayer_lowered;
	s10 =	simm.s32 $_tile_overlayer_lowered  }
0x9f: {  	s23 =	simm.s32 $0x1BFF;
	s22 =	sshll.u32 s10, $0x1;
	s7 =	sadd.s32 s8, s20  }
0xa0: {  	s11 =	simm.s32 $0x0;
	s21 =	sshll.u32 s9, $0x1;
	s9 =	sadd.s32 s22, s7  }
0xa1: {  	[timem:s11], [sflag:s23] =	dma.local [hbm:s9], s21  }
0xa2: {  	_ =	swait.ge [sflag:s23], s21  }
0xa3: {  	s8 =	ssub.s32 $0x0, s21;
	[sflag:s23] =	ssyncset.done $0x0  }
0xa4: {  	[sflag:s23] =	ssyncadd.s32 s8;
	_ =	sdelay $0x1  }
0xa5: {  	s24 =	simm.s32 $0x1B8B  }
0xa6: {  	_ =	swait.ge [sflag:s24], $0x1  }
0xa7: {  	[sflag:s24] =	ssyncset.done $0x0  }
0xa8: {  	s25 =	simm.s32 $0x1B8E;
	[sflag:s24] =	ssyncadd.s32 $0xFFFFFFFF  }
0xa9: {  	s26 =	simm.s32 $execute0_lowered;
	[smem:$0x3FD2] =	sst s25  }
0xaa: {  	s8 =	sshll.u32 s26, $0x1;
	_ =	strace $0x80000046;
	[dreg:$0x1] =	wrdreg $0xFFFFFFFF  }
0xab: {  	s28 =	simm.s32 $_size_execute0_lowered;
	s7 =	sadd.s32 s7, s8;
	[dreg:$0x0] =	wrdreg $0x0  }
0xac: {  	s8 =	sshll.u32 s28, $0x1;
	[dreg:$0x2] =	wrdreg s7  }
0xad: {  	[dreg:$0x3] =	wrdreg s8  }
0xae: {  	[dreg:$0x4] =	wrdreg $0xC0  }
0xaf: {  	_ =	task [dreg:s11], $0x5FFFF  }
0xb0: {  	[dreg:$0x1] =	wrdreg $0xFFFFFFFF  }
0xb1: {  	[dreg:$0x0] =	wrdreg $0x60  }
0xb2: {  	[dreg:$0x2] =	wrdreg s2  }
0xb3: {  	[dreg:$0x3] =	wrdreg s19  }
0xb4: {  	[dreg:$0x4] =	wrdreg s4  }
0xb5: {  	[dreg:$0x5] =	wrdreg s5  }
0xb6: {  	[dreg:$0x6] =	wrdreg s6  }
0xb7: {  	[dreg:$0x7] =	wrdreg $0x9  }
0xb8: {  	_ =	task.clear_ibuf [dreg:s11], $0x8FFFF;
	_ =	strace $0x90000046  }
0xb9: {  	s29 =	simm.s32 $0x9;
	_ =	strace $0x80000048  }
0xba: {  	_ =	swait.ge [sflag:s29], $0x1  }
0xbb: {  	[sflag:s29] =	ssyncadd.s32 $0xFFFFFFFF  }
0xbc: {  	_ =	strace $0x90000048  }
0xbd: {  	_ =	sfence  }
0xbe: {  	s30 =	sld [smem:$0x0];
	_ =	sdelay $0x2  }
0xbf: {  	s31 =	sshll.u32 s1, $0xD;
	s1 =	sshrl.u32 s1, $0x2  }
0xc0: {  	s3 =	sand.u32 $0x4000, s31;
	s1 =	sadd.s32 s1, s30  }
0xc1: {  	s0 =	sor.u32 s3, s0;
	s1 =	sshll.u32 s1, $0x11  }
0xc2: {  	s0 =	sor.u32 s1, s0  }
0xc3: {  	s0 =	sadd.s32 $0x8F2B, s0  }
0xc4: {  	[sflag:s0] =	ssyncadd.remote.s32 $0x1  }
0xc5: {  	_ =	sfence.sel $0xFFFF  }
0xc6: {  	[dreg:$0x0] =	wrdreg $0xFFFFFFFF;
	(pc) =	sbr.abs _section_cstart, $3  }
0xc7: {  	[dreg:$0x1] =	wrdreg $0xFFFFFFFF  }
0xc8: {  	_ =	task.clear_ibuf [dreg:s11], $0x2FFFF;
	_ =	strace $0x9FFFFFFF  }
0xc9: {  	(tm) =	ssettm $0x7FFFFFFF  }
tec
execute0_lowered:
.L_overlay_start_1:
0x0: {  	(tag) =	ssettag $0x1  }
0x1: {  	s1 =	rddreg [dreg:$0x0]  }
0x2: {  	s2 =	rddreg [dreg:$0x1]  }
0x3: {  	s3 =	rddreg [dreg:$0x2]  }
0x4: {  	s4 =	rddreg [dreg:$0x3]  }
0x5: {  	s5 =	rddreg [dreg:$0x4]  }
0x6: {  	s6 =	srdreg.scid;
	s0 =	rddreg [dreg:$0x5];
	s7 =	simm.s32 $0x0  }
0x7: {  	s12 =	simm.s32 $0x50;
	s13 =	simm.s32 $0x100;
	s14 =	simm.s32 $0x2900  }
0x8: {  	s15 =	simm.s32 $0x1;
	s16 =	simm.s32 $0x2;
	s17 =	simm.s32 $0x5100  }
0x9: {  	s18 =	simm.s32 $0x5600;
	s19 =	simm.s32 $0x0;
	s8 =	sand.u32 $0x1, s6  }
0xa: {  	s6 =	stileid.u32;
	[smem:$0x7FF] =	sst s7;
	s9 =	ssub.s32 $0x2, s8  }
0xb: {  	v0 =	vlaneseq.u32;
	s11 =	sshll.u32 s6, $0x1;
	_ =	strace $0x80000047;
	s10 =	sshrl.u32 s9, $0x1  }
0xc: {  	v0 =	vmul.u32 $0x10, v0;
	s8 =	sor.u32 s8, s11;
	s11 =	simm.s32 $0x80;
	s9 =	ssub.s32 s9, s10  }
0xd: {  	s8 =	smul.u32 $0x2710, s8;
	s10 =	simm.s32 $0x3;
	s9 =	smax.u32 s9, $0x1  }
.LBB2_1:
0xe: {  	s20 =	simm.s32 $0x0  }
.LBB2_2:
0xf: {  	s21 =	smul.u32 $0x50, s20;
	_ =	sdelay $0x1  }
0x10: {  	s21 =	sadd.s32 s8, s21  }
0x11: {  	s21 =	sshrl.u32 s21, $0x3  }
0x12: {  	s22 =	simm.s32 $0x0;
	s23 =	sadd.s32 s1, s21  }
0x13: {  	[tilespmem:s22], [sflag:$0x3] =	stream.linear.gather [hbm4b:s23+s22], $0x50, $0x38;
	[tilespmem:$0x5680] =	vst v63  }
0x14: {  	_ =	swait.ge [sflag:s10], $0x50  }
0x15: {  	[sflag:s10] =	ssyncset.done $0x0  }
0x16: {  	s30 =	sadd.s32 s2, s21;
	[sflag:s10] =	ssyncadd.s32 $0xFFFFFFB0  }
0x17: {  	[tilespmem:s11], [sflag:$0x3] =	stream.linear.gather [hbm4b:s30+s22], $0x50, $0x38;
	[tilespmem:$0x5680] =	vst v63  }
0x18: {  	_ =	swait.ge [sflag:s10], $0x50  }
0x19: {  	[sflag:s10] =	ssyncset.done $0x0  }
0x1a: {  	[sflag:s10] =	ssyncadd.s32 $0xFFFFFFB0  }
0x1b: {  	[tilespmem:s13], [sflag:$0x1] =	stream.indirect.gather [hbm4b:s3+s12], $0x80, s22, s12, $0xb8;
	[tilespmem:$0x5680] =	vst v63  }
0x1c: {  	_ = 	snop  }
0x1d: {  	[tilespmem:s14], [sflag:$0x2] =	stream.indirect.gather [hbm4b:s4+s12], $0x80, s11, s12, $0xb8;
	[tilespmem:$0x5680] =	vst v63  }
0x1e: {  	_ =	swait.ge [sflag:s15], $0x2800  }
0x1f: {  	[sflag:s15] =	ssyncset.done $0x0  }
0x20: {  	[sflag:s15] =	ssyncadd.s32 $0xFFFFD800  }
0x21: {  	_ =	swait.ge [sflag:s16], $0x2800  }
0x22: {  	[sflag:s16] =	ssyncset.done $0x0  }
0x23: {  	s31 =	simm.s32 $0x0;
	[sflag:s16] =	ssyncadd.s32 $0xFFFFD800  }
0x24: {  	v1 =	vld [tilespmem:s31+$0x2900]  }
0x25: {  	v2 =	vld [tilespmem:s31+$0x100]  }
0x26: {  	v3 =	vld [tilespmem:s31+$0x110]  }
0x27: {  	v4 =	vld [tilespmem:s31+$0x2910]  }
0x28: {  	v5 =	vld [tilespmem:s31+$0x120]  }
0x29: {  	v6 =	vld [tilespmem:s31+$0x2920]  }
0x2a: {  	v7 =	vld [tilespmem:s31+$0x130]  }
0x2b: {  	v8 =	vld [tilespmem:s31+$0x2930]  }
0x2c: {  	v1 =	vmul.f32 v1, v2;
	v2 =	vmul.f32 v4, v3;
	v3 =	vld [tilespmem:s31+$0x140]  }
0x2d: {  	v4 =	vld [tilespmem:s31+$0x2940]  }
0x2e: {  	v61 =	vld [tilespmem:s31+$0x2950];
	v1 =	vadd.f32 v2, v1;
	v2 =	vmul.f32 v6, v5  }
0x2f: {  	v5 =	vld [tilespmem:s31+$0x150]  }
0x30: {  	v62 =	vld [tilespmem:s31+$0x160];
	v1 =	vadd.f32 v2, v1;
	v2 =	vmul.f32 v8, v7  }
0x31: {  	v63 =	vld [tilespmem:s31+$0x2960]  }
0x32: {  	v1 =	vadd.f32 v2, v1;
	v2 =	vmul.f32 v4, v3;
	v3 =	vld [tilespmem:s31+$0x170]  }
0x33: {  	v4 =	vld [tilespmem:s31+$0x2970]  }
0x34: {  	v1 =	vadd.f32 v2, v1;
	v2 =	vmul.f32 v61, v5;
	_ =	sdelay $0x1  }
0x35: {  	v1 =	vadd.f32 v2, v1;
	v2 =	vmul.f32 v63, v62;
	_ =	sdelay $0x1  }
0x36: {  	v1 =	vadd.f32 v2, v1;
	v2 =	vmul.f32 v4, v3;
	_ =	sdelay $0x1  }
0x37: {  	v1 =	vadd.f32 v2, v1  }
0x38: {  	s23 =	simm.s32 $0x5100  }
0x39: {  	s24 =	simm.s32 $0x80;
	[tilespmem:s23+$0x0] =	vst v1  }
0x3a: {  	v1 =	vld [tilespmem:s24+$0x2900]  }
0x3b: {  	v2 =	vld [tilespmem:s24+$0x100]  }
0x3c: {  	s25 =	simm.s32 $0x400;
	v3 =	vld [tilespmem:s24+$0x110]  }
.LBB2_3:
0x3d: {  	p0 =	sne.s32 s25, $0x9E00;
	v4 =	vld [tilespmem:s24+$0x2910]  }
0x3e: {  	v5 =	vld [tilespmem:s24+$0x120]  }
0x3f: {  	v6 =	vld [tilespmem:s24+$0x2920]  }
0x40: {  	v7 =	vld [tilespmem:s24+$0x130]  }
0x41: {  	v8 =	vld [tilespmem:s24+$0x2930]  }
0x42: {  	v1 =	vmul.f32 v1, v2;
	v2 =	vmul.f32 v4, v3;
	v3 =	vld [tilespmem:s24+$0x140]  }
0x43: {  	v4 =	vld [tilespmem:s24+$0x2940]  }
0x44: {  	v1 =	vadd.f32 v2, v1;
	v2 =	vmul.f32 v6, v5;
	v5 =	vld [tilespmem:s24+$0x150]  }
0x45: {  	v6 =	vld [tilespmem:s24+$0x2950]  }
0x46: {  	v1 =	vadd.f32 v2, v1;
	v2 =	vmul.f32 v8, v7;
	v7 =	vld [tilespmem:s24+$0x160]  }
0x47: {  	v8 =	vld [tilespmem:s24+$0x2960]  }
0x48: {  	v1 =	vadd.f32 v2, v1;
	v2 =	vmul.f32 v4, v3;
	v3 =	vld [tilespmem:s24+$0x170]  }
0x49: {  	v4 =	vld [tilespmem:s24+$0x2970]  }
0x4a: {  	v1 =	vadd.f32 v2, v1;
	v2 =	vmul.f32 v6, v5;
	_ =	sdelay $0x1  }
0x4b: {  	v1 =	vadd.f32 v2, v1;
	v2 =	vmul.f32 v8, v7;
	_ =	sdelay $0x1  }
0x4c: {  	v1 =	vadd.f32 v2, v1;
	v2 =	vmul.f32 v4, v3;
	_ =	sdelay $0x1  }
0x4d: {  	v1 =	vadd.f32 v2, v1  }
.Ltmp0:
0x4e: {  	s23 =	sadd.s32 $0x10, s23;
	(pc) =	sbr.rel @p0 .LBB2_3-.Ltmp0, $4  }
0x4f: {  	s24 =	sshra.s32 s25, $0x2;
	[tilespmem:s23+$0x0] =	vst v1  }
0x50: {  	v1 =	vld [tilespmem:s24+$0x2900]  }
0x51: {  	v2 =	vld [tilespmem:s24+$0x100]  }
0x52: {  	s25 =	sadd.s32 $0x200, s25;
	v3 =	vld [tilespmem:s24+$0x110]  }
0x53: {  	v4 =	vld [tilespmem:s24+$0x2910]  }
0x54: {  	v5 =	vld [tilespmem:s24+$0x120]  }
0x55: {  	v6 =	vld [tilespmem:s24+$0x2920]  }
0x56: {  	v7 =	vld [tilespmem:s24+$0x130]  }
0x57: {  	v8 =	vld [tilespmem:s24+$0x2930]  }
0x58: {  	v1 =	vmul.f32 v1, v2;
	v2 =	vmul.f32 v4, v3;
	v3 =	vld [tilespmem:s24+$0x140]  }
0x59: {  	v4 =	vld [tilespmem:s24+$0x2940]  }
0x5a: {  	v1 =	vadd.f32 v2, v1;
	v2 =	vmul.f32 v6, v5;
	v5 =	vld [tilespmem:s24+$0x150]  }
0x5b: {  	v6 =	vld [tilespmem:s24+$0x2950]  }
0x5c: {  	v57 =	vld [tilespmem:s24+$0x2960];
	v1 =	vadd.f32 v2, v1;
	v2 =	vmul.f32 v8, v7  }
0x5d: {  	v7 =	vld [tilespmem:s24+$0x160]  }
0x5e: {  	v1 =	vadd.f32 v2, v1;
	v2 =	vmul.f32 v4, v3;
	v3 =	vld [tilespmem:s24+$0x170]  }
0x5f: {  	v4 =	vld [tilespmem:s24+$0x2970]  }
0x60: {  	v1 =	vadd.f32 v2, v1;
	v2 =	vmul.f32 v6, v5  }
0x61: {  	v5 =	vmov s22  }
0x62: {  	v5 =	vshll.u32 v5, $0x4;
	v1 =	vadd.f32 v2, v1;
	v2 =	vmul.f32 v57, v7  }
0x63: {  	v5 =	vor.u32 v0, v5  }
0x64: {  	v1 =	vadd.f32 v2, v1;
	v2 =	vmul.f32 v4, v3;
	v3 =	vor.u32 $0x1, v5;
	_ =	sdelay $0x1  }
0x65: {  	v1 =	vadd.f32 v2, v1  }
0x66: {  	s29 =	sadd.s32 $0x10, s23;
	v2 =	vor.u32 $0x2, v5  }
0x67: {  	[tilespmem:s29+$0x0] =	vst v1  }
0x68: {  	v1 =	vld.idx.msk [tilespmem:v3+s17+$0x0], $0xffff;
	v3 =	vor.u32 $0x3, v5  }
0x69: {  	v4 =	vld.idx.msk [tilespmem:v5+s17+$0x0], $0xffff  }
0x6a: {  	v6 =	vor.u32 $0x4, v5  }
0x6b: {  	v2 =	vld.idx.msk [tilespmem:v2+s17+$0x0], $0xffff  }
0x6c: {  	v7 =	vor.u32 $0x5, v5  }
0x6d: {  	v3 =	vld.idx.msk [tilespmem:v3+s17+$0x0], $0xffff  }
0x6e: {  	v58 =	vor.u32 $0x6, v5;
	v1 =	vadd.f32 v1, v4  }
0x6f: {  	v4 =	vld.idx.msk [tilespmem:v6+s17+$0x0], $0xffff  }
0x70: {  	v6 =	vor.u32 $0x7, v5;
	v1 =	vadd.f32 v2, v1  }
0x71: {  	v2 =	vld.idx.msk [tilespmem:v7+s17+$0x0], $0xffff  }
0x72: {  	v7 =	vor.u32 $0x8, v5;
	v1 =	vadd.f32 v3, v1  }
0x73: {  	v3 =	vld.idx.msk [tilespmem:v58+s17+$0x0], $0xffff  }
0x74: {  	v59 =	vor.u32 $0x9, v5;
	v1 =	vadd.f32 v4, v1  }
0x75: {  	v4 =	vld.idx.msk [tilespmem:v6+s17+$0x0], $0xffff  }
0x76: {  	v6 =	vor.u32 $0xA, v5;
	v1 =	vadd.f32 v2, v1  }
0x77: {  	v2 =	vld.idx.msk [tilespmem:v7+s17+$0x0], $0xffff  }
0x78: {  	v7 =	vor.u32 $0xB, v5;
	v1 =	vadd.f32 v3, v1  }
0x79: {  	v3 =	vld.idx.msk [tilespmem:v59+s17+$0x0], $0xffff  }
0x7a: {  	v60 =	vor.u32 $0xC, v5;
	v1 =	vadd.f32 v4, v1  }
0x7b: {  	v4 =	vld.idx.msk [tilespmem:v6+s17+$0x0], $0xffff  }
0x7c: {  	v6 =	vor.u32 $0xD, v5;
	v1 =	vadd.f32 v2, v1  }
0x7d: {  	v2 =	vld.idx.msk [tilespmem:v7+s17+$0x0], $0xffff  }
0x7e: {  	v7 =	vor.u32 $0xE, v5;
	v1 =	vadd.f32 v3, v1  }
0x7f: {  	v3 =	vld.idx.msk [tilespmem:v60+s17+$0x0], $0xffff  }
0x80: {  	v5 =	vor.u32 $0xF, v5;
	v1 =	vadd.f32 v4, v1  }
0x81: {  	v4 =	vld.idx.msk [tilespmem:v6+s17+$0x0], $0xffff  }
0x82: {  	v1 =	vadd.f32 v2, v1  }
0x83: {  	v2 =	vld.idx.msk [tilespmem:v7+s17+$0x0], $0xffff  }
0x84: {  	s30 =	simm.s32 $0x10;
	v1 =	vadd.f32 v3, v1  }
0x85: {  	v3 =	vld.idx.msk [tilespmem:v5+s17+$0x0], $0xffff;
	v5 =	vmov s30  }
0x86: {  	v5 =	vshll.u32 v5, $0x4;
	v1 =	vadd.f32 v4, v1  }
0x87: {  	v4 =	vor.u32 v0, v5  }
0x88: {  	v5 =	vor.u32 $0x1, v4;
	v1 =	vadd.f32 v2, v1;
	_ =	sdelay $0x1  }
0x89: {  	v1 =	vadd.f32 v3, v1  }
0x8a: {  	s22 =	simm.s32 $0x5600;
	v2 =	vor.u32 $0x2, v4  }
0x8b: {  	[tilespmem:s22+$0x0] =	vst v1  }
0x8c: {  	v3 =	vor.u32 $0x3, v4;
	v1 =	vld.idx.msk [tilespmem:v5+s17+$0x0], $0xffff  }
0x8d: {  	v5 =	vld.idx.msk [tilespmem:v4+s17+$0x0], $0xffff  }
0x8e: {  	v6 =	vor.u32 $0x4, v4  }
0x8f: {  	v2 =	vld.idx.msk [tilespmem:v2+s17+$0x0], $0xffff  }
0x90: {  	v7 =	vor.u32 $0x5, v4  }
0x91: {  	v3 =	vld.idx.msk [tilespmem:v3+s17+$0x0], $0xffff  }
0x92: {  	v61 =	vor.u32 $0x6, v4;
	v1 =	vadd.f32 v1, v5  }
0x93: {  	v5 =	vld.idx.msk [tilespmem:v6+s17+$0x0], $0xffff  }
0x94: {  	v6 =	vor.u32 $0x7, v4;
	v1 =	vadd.f32 v2, v1  }
0x95: {  	v2 =	vld.idx.msk [tilespmem:v7+s17+$0x0], $0xffff  }
0x96: {  	v7 =	vor.u32 $0x8, v4;
	v1 =	vadd.f32 v3, v1  }
0x97: {  	v3 =	vld.idx.msk [tilespmem:v61+s17+$0x0], $0xffff  }
0x98: {  	v62 =	vor.u32 $0x9, v4;
	v1 =	vadd.f32 v5, v1  }
0x99: {  	v5 =	vld.idx.msk [tilespmem:v6+s17+$0x0], $0xffff  }
0x9a: {  	v6 =	vor.u32 $0xA, v4;
	v1 =	vadd.f32 v2, v1  }
0x9b: {  	v2 =	vld.idx.msk [tilespmem:v7+s17+$0x0], $0xffff  }
0x9c: {  	v7 =	vor.u32 $0xB, v4;
	v1 =	vadd.f32 v3, v1  }
0x9d: {  	v3 =	vld.idx.msk [tilespmem:v62+s17+$0x0], $0xffff  }
0x9e: {  	v63 =	vor.u32 $0xC, v4;
	v1 =	vadd.f32 v5, v1  }
0x9f: {  	v5 =	vld.idx.msk [tilespmem:v6+s17+$0x0], $0xffff  }
0xa0: {  	v1 =	vadd.f32 v2, v1  }
0xa1: {  	v6 =	vor.u32 $0xD, v4;
	v2 =	vld.idx.msk [tilespmem:v7+s17+$0x0], $0xffff  }
0xa2: {  	v1 =	vadd.f32 v3, v1  }
0xa3: {  	v7 =	vor.u32 $0xE, v4;
	v3 =	vld.idx.msk [tilespmem:v63+s17+$0x0], $0xffff  }
0xa4: {  	v1 =	vadd.f32 v5, v1  }
0xa5: {  	v4 =	vor.u32 $0xF, v4  }
0xa6: {  	v5 =	vld.idx.msk [tilespmem:v6+s17+$0x0], $0xffff;
	v1 =	vadd.f32 v2, v1;
	_ =	sdelay $0x1  }
0xa7: {  	v3 =	vadd.f32 v3, v1;
	v1 =	vld.idx.msk [tilespmem:v7+s17+$0x0], $0xffff  }
0xa8: {  	s31 =	simm.s32 $0x20  }
0xa9: {  	v6 =	vmov s31;
	v2 =	vld.idx.msk [tilespmem:v4+s17+$0x0], $0xffff  }
0xaa: {  	s23 =	simm.s32 $0x30;
	v4 =	vshll.u32 v6, $0x4;
	v3 =	vadd.f32 v5, v3  }
.LBB2_5:
0xab: {  	p0 =	sne.s32 s23, $0x40;
	v4 =	vor.u32 v0, v4  }
0xac: {  	v5 =	vor.u32 $0x1, v4;
	v1 =	vadd.f32 v1, v3;
	_ =	sdelay $0x1  }
0xad: {  	v1 =	vadd.f32 v2, v1  }
0xae: {  	s22 =	sadd.s32 $0x10, s22;
	v2 =	vor.u32 $0x2, v4  }
0xaf: {  	[tilespmem:s22+$0x0] =	vst v1  }
0xb0: {  	v3 =	vor.u32 $0x3, v4;
	v1 =	vld.idx.msk [tilespmem:v5+s17+$0x0], $0xffff  }
0xb1: {  	v5 =	vld.idx.msk [tilespmem:v4+s17+$0x0], $0xffff  }
0xb2: {  	v6 =	vor.u32 $0x4, v4  }
0xb3: {  	v2 =	vld.idx.msk [tilespmem:v2+s17+$0x0], $0xffff  }
0xb4: {  	v7 =	vor.u32 $0x5, v4  }
0xb5: {  	v3 =	vld.idx.msk [tilespmem:v3+s17+$0x0], $0xffff  }
0xb6: {  	v8 =	vor.u32 $0x6, v4  }
0xb7: {  	v1 =	vadd.f32 v1, v5;
	v5 =	vld.idx.msk [tilespmem:v6+s17+$0x0], $0xffff  }
0xb8: {  	v6 =	vor.u32 $0x7, v4  }
0xb9: {  	v1 =	vadd.f32 v2, v1;
	v2 =	vld.idx.msk [tilespmem:v7+s17+$0x0], $0xffff  }
0xba: {  	v7 =	vor.u32 $0x8, v4  }
0xbb: {  	v1 =	vadd.f32 v3, v1;
	v3 =	vld.idx.msk [tilespmem:v8+s17+$0x0], $0xffff  }
0xbc: {  	v8 =	vor.u32 $0x9, v4  }
0xbd: {  	v1 =	vadd.f32 v5, v1;
	v5 =	vld.idx.msk [tilespmem:v6+s17+$0x0], $0xffff  }
0xbe: {  	v6 =	vor.u32 $0xA, v4  }
0xbf: {  	v1 =	vadd.f32 v2, v1;
	v2 =	vld.idx.msk [tilespmem:v7+s17+$0x0], $0xffff  }
0xc0: {  	v7 =	vor.u32 $0xB, v4  }
0xc1: {  	v1 =	vadd.f32 v3, v1;
	v3 =	vld.idx.msk [tilespmem:v8+s17+$0x0], $0xffff  }
0xc2: {  	v8 =	vor.u32 $0xC, v4  }
0xc3: {  	v1 =	vadd.f32 v5, v1;
	v5 =	vld.idx.msk [tilespmem:v6+s17+$0x0], $0xffff  }
0xc4: {  	v6 =	vor.u32 $0xD, v4  }
0xc5: {  	v1 =	vadd.f32 v2, v1;
	v2 =	vld.idx.msk [tilespmem:v7+s17+$0x0], $0xffff  }
0xc6: {  	v7 =	vor.u32 $0xE, v4  }
0xc7: {  	v1 =	vadd.f32 v3, v1;
	v3 =	vld.idx.msk [tilespmem:v8+s17+$0x0], $0xffff  }
0xc8: {  	v4 =	vor.u32 $0xF, v4  }
0xc9: {  	v1 =	vadd.f32 v5, v1;
	v5 =	vld.idx.msk [tilespmem:v6+s17+$0x0], $0xffff;
	_ =	sdelay $0x1  }
.Ltmp1:
0xca: {  	v2 =	vadd.f32 v2, v1;
	v1 =	vld.idx.msk [tilespmem:v7+s17+$0x0], $0xffff;
	(pc) =	sbr.rel @p0 .LBB2_5-.Ltmp1, $4  }
0xcb: {  	_ = 	snop  }
0xcc: {  	v3 =	vadd.f32 v3, v2;
	v2 =	vld.idx.msk [tilespmem:v4+s17+$0x0], $0xffff  }
0xcd: {  	v4 =	vmov s23  }
0xce: {  	s23 =	sadd.s32 $0x10, s23;
	v4 =	vshll.u32 v4, $0x4;
	v3 =	vadd.f32 v5, v3  }
0xcf: {  	v4 =	vor.u32 v0, v4  }
0xd0: {  	v5 =	vor.u32 $0x1, v4;
	v1 =	vadd.f32 v1, v3;
	_ =	sdelay $0x1  }
0xd1: {  	v1 =	vadd.f32 v2, v1  }
0xd2: {  	s22 =	sadd.s32 $0x10, s22;
	v2 =	vor.u32 $0x2, v4  }
0xd3: {  	[tilespmem:s22+$0x0] =	vst v1  }
0xd4: {  	v3 =	vor.u32 $0x3, v4;
	v1 =	vld.idx.msk [tilespmem:v5+s17+$0x0], $0xffff  }
0xd5: {  	v51 =	vld.idx.msk [tilespmem:v4+s17+$0x0], $0xffff  }
0xd6: {  	v6 =	vor.u32 $0x4, v4  }
0xd7: {  	v2 =	vld.idx.msk [tilespmem:v2+s17+$0x0], $0xffff  }
0xd8: {  	v7 =	vor.u32 $0x5, v4  }
0xd9: {  	v3 =	vld.idx.msk [tilespmem:v3+s17+$0x0], $0xffff  }
0xda: {  	v8 =	vor.u32 $0x6, v4;
	v1 =	vadd.f32 v1, v51  }
0xdb: {  	v52 =	vld.idx.msk [tilespmem:v6+s17+$0x0], $0xffff  }
0xdc: {  	v53 =	vor.u32 $0x7, v4;
	v1 =	vadd.f32 v2, v1  }
0xdd: {  	v2 =	vld.idx.msk [tilespmem:v7+s17+$0x0], $0xffff  }
0xde: {  	v54 =	vor.u32 $0x8, v4;
	v1 =	vadd.f32 v3, v1  }
0xdf: {  	v3 =	vld.idx.msk [tilespmem:v8+s17+$0x0], $0xffff  }
0xe0: {  	v55 =	vor.u32 $0x9, v4;
	v1 =	vadd.f32 v52, v1  }
0xe1: {  	v56 =	vld.idx.msk [tilespmem:v53+s17+$0x0], $0xffff  }
0xe2: {  	v57 =	vor.u32 $0xA, v4;
	v1 =	vadd.f32 v2, v1  }
0xe3: {  	v2 =	vld.idx.msk [tilespmem:v54+s17+$0x0], $0xffff  }
0xe4: {  	v58 =	vor.u32 $0xB, v4;
	v1 =	vadd.f32 v3, v1  }
0xe5: {  	v3 =	vld.idx.msk [tilespmem:v55+s17+$0x0], $0xffff  }
0xe6: {  	v59 =	vor.u32 $0xC, v4;
	v1 =	vadd.f32 v56, v1  }
0xe7: {  	v60 =	vld.idx.msk [tilespmem:v57+s17+$0x0], $0xffff  }
0xe8: {  	v61 =	vor.u32 $0xD, v4;
	v1 =	vadd.f32 v2, v1  }
0xe9: {  	v2 =	vld.idx.msk [tilespmem:v58+s17+$0x0], $0xffff  }
0xea: {  	v62 =	vor.u32 $0xE, v4;
	v1 =	vadd.f32 v3, v1  }
0xeb: {  	v3 =	vld.idx.msk [tilespmem:v59+s17+$0x0], $0xffff  }
0xec: {  	v4 =	vor.u32 $0xF, v4;
	v1 =	vadd.f32 v60, v1  }
0xed: {  	v63 =	vld.idx.msk [tilespmem:v61+s17+$0x0], $0xffff  }
0xee: {  	v1 =	vadd.f32 v2, v1  }
0xef: {  	v2 =	vld.idx.msk [tilespmem:v62+s17+$0x0], $0xffff  }
0xf0: {  	v1 =	vadd.f32 v3, v1  }
0xf1: {  	v3 =	vld.idx.msk [tilespmem:v4+s17+$0x0], $0xffff  }
0xf2: {  	v1 =	vadd.f32 v63, v1;
	_ =	sdelay $0x1  }
0xf3: {  	v1 =	vadd.f32 v2, v1;
	_ =	sdelay $0x1  }
0xf4: {  	s20 =	sadd.s32 $0x1, s20;
	v1 =	vadd.f32 v3, v1  }
0xf5: {  	p0 =	sne.s32 s20, $0x7D;
	s22 =	sadd.s32 $0x10, s22  }
.Ltmp2:
0xf6: {  	s21 =	sadd.s32 s5, s21;
	[tilespmem:s22+$0x0] =	vst v1;
	(pc) =	sbr.rel @p0 .LBB2_2-.Ltmp2, $4  }
0xf7: {  	[hbm4b:s21+s7] =	stream.linear.scatter [tilespmem:s18], [sflag:$0x3], $0x50, $0x38;
	[tilespmem:$0x5680] =	vst v63  }
0xf8: {  	_ =	swait.ge [sflag:s10], $0x50  }
0xf9: {  	[sflag:s10] =	ssyncset.done $0x0  }
0xfa: {  	[sflag:s10] =	ssyncadd.s32 $0xFFFFFFB0  }
0xfb: {  	s19 =	sadd.s32 $0x1, s19  }
0xfc: {  	p0 =	sne.s32 s19, s9  }
.Ltmp3:
0xfd: {  	_ = 	snop;
	(pc) =	sbr.rel @p0 .LBB2_1-.Ltmp3, $1  }
0xfe: {  	_ =	sdelay $0x3  }
0xff: {  	_ =	sfence.sel $0x180000  }
0x100: {  	[bflag:$0x0] =	sbarrier.arrive $0xFFFF  }
0x101: {  	p0 =	sne.s32 s6, $0x0;
	_ =	strace $0x90000047  }
0x102: {  	s0 =	sadd.s32 @!p0 $0x100000, s0;
	[bflag:$0x2] =	sbarrier.arrive $0xFFFF  }
0x103: {  	[sflag:s0] =	ssyncadd.tile.s32 @!p0 $0x1;
	_ =	shalt  }
.Lfunc_end2:
_tile_overlayer_lowered:
.L_overlay_start_2:
0x104: {  	(tag) =	ssettag $0x2  }
0x105: {  	s0 =	rddreg [dreg:$0x0];
	s2 =	stileid.u32  }
0x106: {  	s1 =	rddreg [dreg:$0x1];
	p0 =	sne.s32 s2, $0x0  }
0x107: {  	s3 =	rddreg [dreg:$0x2];
	[bflag:$0x3] =	sbarrier.arrive $0xFFFF;
	s2 =	simm.s32 @!p0 $0x1C03  }
0x108: {  	[timem:s3], [sflag:s2] =	dma.local @!p0 [hbm:s0], s1  }
0x109: {  	s0 =	simm.s32 @!p0 $0x3  }
0x10a: {  	_ =	swait.ge @!p0 [sflag:s0], s1  }
0x10b: {  	s1 =	ssub.s32 @!p0 $0x0, s1;
	[sflag:s0] =	ssyncset.done @!p0 $0x0  }
0x10c: {  	[sflag:s0] =	ssyncadd.s32 @!p0 s1  }
0x10d: {  	[bflag:$0x3] =	sbarrier.arrive $0xFFFF  }
0x10e: {  	_ =	shalt  }

</sc_bundles>
